<compile_context>
chip_gen: v7x
topology: tpu7x:2x2x1
jax: 0.10.2.dev20260603
libtpu: 0.0.44.dev20260713+nightly
codegen_flags: <defaults>
</compile_context>

<pallas_src>
import functools

import jax
import jax.numpy as jnp
from jax import lax
from jax.experimental import pallas as pl
from jax.experimental.pallas import tpu as pltpu
from jax.experimental.pallas import tpu_sc as plsc

N_NODES = 10000
D_IN = 128
D_OUT = 128

NC = 2
NS = 16
NW = NC * NS

CHUNK = 128
AUG = 160
NPAD = 10016
ROWS_PER_TILE = NPAD // NS

NCHUNKS = 2500
CNT_MAX = 94
SC0_TOTAL = 8 * 94 + 8 * 93


def _sc_aggregate():
    mesh = plsc.VectorSubcoreMesh(core_axis_name="c", subcore_axis_name="s")

    @functools.partial(
        pl.kernel,
        out_type=jax.ShapeDtypeStruct((NC, NPAD, AUG), jnp.bfloat16),
        mesh=mesh,
        compiler_params=pltpu.CompilerParams(use_tc_tiling_on_sc=False),
        scratch_types=[
            pltpu.VMEM((CNT_MAX, CHUNK), jnp.int32),
            pltpu.VMEM((CNT_MAX, CHUNK), jnp.int32),
            pltpu.VMEM((CHUNK, AUG), jnp.bfloat16),
            pltpu.VMEM_SHARED((NPAD, AUG), jnp.bfloat16),
            pltpu.SemaphoreType.DMA,
        ],
    )
    def sc_agg(h_aug, src2, dst2, zeros, out, src_v, dst_v, rows, acc, sem):
        cid = lax.axis_index("c")
        sid = lax.axis_index("s")
        r0 = sid * ROWS_PER_TILE
        on0 = cid == 0
        base = jnp.where(on0,
                         93 * sid + jnp.minimum(sid, 8),
                         SC0_TOTAL + 62 * sid + jnp.minimum(sid, 12))
        cnt = jnp.where(on0,
                        jnp.where(sid < 8, 94, 93),
                        jnp.where(sid < 12, 63, 62))
        sb = jnp.minimum(base, NCHUNKS - CNT_MAX)
        j = base - sb

        pltpu.sync_copy(zeros.at[pl.ds(r0, ROWS_PER_TILE)],
                        acc.at[pl.ds(r0, ROWS_PER_TILE)])
        pltpu.sync_copy(src2.at[pl.ds(sb, CNT_MAX)], src_v)
        pltpu.sync_copy(dst2.at[pl.ds(sb, CNT_MAX)], dst_v)
        plsc.subcore_barrier()

        def body(c, carry):
            pltpu.async_copy(h_aug.at[src_v.at[j + c]], rows, sem).wait()
            pltpu.sync_copy(rows, acc.at[dst_v.at[j + c]], add=True)
            return carry

        lax.fori_loop(0, cnt, body, 0)

        plsc.subcore_barrier()
        pltpu.sync_copy(acc.at[pl.ds(r0, ROWS_PER_TILE)],
                        out.at[cid, pl.ds(r0, ROWS_PER_TILE)])

    return sc_agg


def _tc_combine(h_blk, parts_blk, w_blk, b_blk, out_blk):
    p = (parts_blk[0].astype(jnp.float32)
         + parts_blk[1].astype(jnp.float32))
    s = p[:, :D_IN]
    deg = p[:, D_IN:D_IN + 1]
    agg = s / jnp.maximum(deg, 1.0)
    out_blk[...] = (
        jnp.dot(h_blk[...], w_blk[:D_IN], preferred_element_type=jnp.float32)
        + jnp.dot(agg, w_blk[D_IN:], preferred_element_type=jnp.float32)
        + b_blk[...]
    )


def kernel(h, edge_index, W, b):
    e32 = edge_index.astype(jnp.int32)
    src2 = e32[0].reshape(NCHUNKS, CHUNK)
    dst2 = e32[1].reshape(NCHUNKS, CHUNK)

    h_aug = jnp.concatenate(
        [h, jnp.ones((N_NODES, 1), h.dtype),
         jnp.zeros((N_NODES, AUG - D_IN - 1), h.dtype)],
        axis=1).astype(jnp.bfloat16)
    zeros = jnp.zeros((NPAD, AUG), jnp.bfloat16)

    parts = _sc_aggregate()(h_aug, src2, dst2, zeros)

    blk = 1000
    grid = N_NODES // blk
    out = pl.pallas_call(
        _tc_combine,
        grid=(grid,),
        in_specs=[
            pl.BlockSpec((blk, D_IN), lambda i: (i, 0)),
            pl.BlockSpec((NC, blk, AUG), lambda i: (0, i, 0)),
            pl.BlockSpec((2 * D_IN, D_OUT), lambda i: (0, 0)),
            pl.BlockSpec((1, D_OUT), lambda i: (0, 0)),
        ],
        out_specs=pl.BlockSpec((blk, D_OUT), lambda i: (i, 0)),
        out_shape=jax.ShapeDtypeStruct((N_NODES, D_OUT), jnp.float32),
    )(h, parts, W, b.reshape(1, D_OUT))
    return out

# --- scband reference (transcript-rebuilt; emitter-appended) ---
"""Pipeline reference for scband-sage-conv-76476187673102 (READ-ONLY COPY).

The authoritative reference and input builder live on the scoring server;
editing this copy changes nothing except your own understanding.
"""

import jax, jax.numpy as jnp
import numpy as np

N_NODES = 10000
N_EDGES = 320000
D_IN = 128
D_OUT = 128

def setup_inputs(seed: int = 0) -> dict:
    key = jax.random.key(seed)
    k1, k2, k3, k4 = jax.random.split(key, 4)
    h = jax.random.normal(k1, (N_NODES, D_IN), dtype=jnp.float32)
    edge_index = jax.random.randint(k2, (2, N_EDGES), 0, N_NODES, dtype=jnp.int64)
    # Linear(in_feat*2, out_feat) parameters
    W = jax.random.normal(k3, (2 * D_IN, D_OUT), dtype=jnp.float32) * (1.0 / np.sqrt(2 * D_IN))
    b = jax.random.normal(k4, (D_OUT,), dtype=jnp.float32) * 0.01
    return {"h": h, "edge_index": edge_index, "W": W, "b": b}

def reference(h, edge_index, W, b):
    # DGL update_all(copy_u('h','m'), mean('m','h_N')):
    # gather source features along edges, mean-reduce into destination nodes.
    src = edge_index[0]
    dst = edge_index[1]
    msg = jnp.take(h, src, axis=0)                                  # gather [E, D]
    summed = jax.ops.segment_sum(msg, dst, num_segments=N_NODES)    # scatter-add
    deg = jax.ops.segment_sum(jnp.ones((msg.shape[0],), dtype=h.dtype), dst, num_segments=N_NODES)
    agg = summed / jnp.maximum(deg, 1.0)[:, None]                   # mean; isolated nodes -> 0
    h_total = jnp.concatenate([h, agg], axis=1)                     # [N, 2*D]
    return h_total @ W + b

if __name__ == "__main__":
    import jax
    _d = setup_inputs()
    print(jax.jit(kernel)(*tuple(_d.values())))

</pallas_src>

<mosaic_0001>
#map = affine_map<(d0, d1) -> (0, 0)>
#map1 = affine_map<(d0, d1) -> (0, 0, 0)>
module attributes {stable_mosaic.version = 14 : i64} {
  func.func @sc_agg(%arg0: i32, %arg1: i32, %arg2: memref<10000x160xbf16, #tpu.memory_space<hbm>>, %arg3: memref<2500x128xi32, #tpu.memory_space<hbm>>, %arg4: memref<2500x128xi32, #tpu.memory_space<hbm>>, %arg5: memref<10016x160xbf16, #tpu.memory_space<hbm>>, %arg6: memref<2x10016x160xbf16, #tpu.memory_space<hbm>>, %arg7: memref<94x128xi32, #tpu.memory_space<vmem>>, %arg8: memref<94x128xi32, #tpu.memory_space<vmem>>, %arg9: memref<128x160xbf16, #tpu.memory_space<vmem>>, %arg10: memref<10016x160xbf16, #tpu.memory_space<vmem_shared>>, %arg11: memref<!tpu.dma_semaphore, #tpu.memory_space<semaphore_mem>>) attributes {dimension_semantics = [#tpu.dimension_semantics<core_parallel>, #tpu.dimension_semantics<subcore_parallel>], iteration_bounds = array<i64: 2, 16>, scalar_prefetch = 0 : i64, scratch_operands = 5 : i64, tpu.core_type = #tpu.core_type<sc_vector_subcore>, window_params = [{transform_indices = #map}, {transform_indices = #map}, {transform_indices = #map}, {transform_indices = #map}, {transform_indices = #map1}]} {
    %mul3A = arith.constant 626 : i32
    %mul3A_0 = arith.muli %arg1, %mul3A : i32
    %eq3A = arith.constant 0 : i32
    %eq3A_1 = arith.cmpi eq, %arg0, %eq3A : i32
    %mul3A_2 = arith.constant 93 : i32
    %mul3A_3 = arith.muli %mul3A_2, %arg1 : i32
    %min3A = arith.constant 8 : i32
    %min3A_4 = arith.minsi %arg1, %min3A : i32
    %add3A = arith.addi %mul3A_3, %min3A_4 : i32
    %mul3A_5 = arith.constant 62 : i32
    %mul3A_6 = arith.muli %mul3A_5, %arg1 : i32
    %add3A_7 = arith.constant 1496 : i32
    %add3A_8 = arith.addi %add3A_7, %mul3A_6 : i32
    %min3A_9 = arith.constant 12 : i32
    %min3A_10 = arith.minsi %arg1, %min3A_9 : i32
    %add3A_11 = arith.addi %add3A_8, %min3A_10 : i32
    %select_n3A = arith.select %eq3A_1, %add3A, %add3A_11 : i32
    %lt3A = arith.constant 8 : i32
    %lt3A_12 = arith.cmpi slt, %arg1, %lt3A : i32
    %jit3A = arith.constant 94 : i32
    %jit3A_13 = arith.constant 93 : i32
    %select_n3A_14 = arith.select %lt3A_12, %jit3A, %jit3A_13 : i32
    %lt3A_15 = arith.constant 12 : i32
    %lt3A_16 = arith.cmpi slt, %arg1, %lt3A_15 : i32
    %jit3A_17 = arith.constant 63 : i32
    %jit3A_18 = arith.constant 62 : i32
    %select_n3A_19 = arith.select %lt3A_16, %jit3A_17, %jit3A_18 : i32
    %select_n3A_20 = arith.select %eq3A_1, %select_n3A_14, %select_n3A_19 : i32
    %min3A_21 = arith.constant 2406 : i32
    %min3A_22 = arith.minsi %select_n3A, %min3A_21 : i32
    %sub3A = arith.subi %select_n3A, %min3A_22 : i32
    "tpu.region"() ({
      %run_scoped3A = tpu.sem_alloc : memref<!tpu.dma_semaphore, #tpu.memory_space<semaphore_mem>>
      %dma_start3A = arith.constant 0 : i32
      %dma_start3A_33 = tpu.memref_slice %arg10[%mul3A_0, %dma_start3A] : memref<10016x160xbf16, #tpu.memory_space<vmem_shared>> -> memref<626x160xbf16, #tpu.memory_space<vmem_shared>>
      %dma_start3A_34 = arith.constant 0 : i32
      %dma_start3A_35 = tpu.memref_slice %arg5[%mul3A_0, %dma_start3A_34] : memref<10016x160xbf16, #tpu.memory_space<hbm>> -> memref<626x160xbf16, #tpu.memory_space<hbm>>
      tpu.enqueue_dma source(%dma_start3A_35 : memref<626x160xbf16, #tpu.memory_space<hbm>>) target(%dma_start3A_33 : memref<626x160xbf16, #tpu.memory_space<vmem_shared>>) target_semaphore(%run_scoped3A : memref<!tpu.dma_semaphore, #tpu.memory_space<semaphore_mem>>)
      %dma_wait3A = arith.constant 0 : i32
      %dma_wait3A_36 = tpu.memref_slice %arg10[%mul3A_0, %dma_wait3A] : memref<10016x160xbf16, #tpu.memory_space<vmem_shared>> -> memref<626x160xbf16, #tpu.memory_space<vmem_shared>>
      %dma_wait3A_37 = arith.constant 0 : i32
      %dma_wait3A_38 = tpu.memref_slice %arg5[%mul3A_0, %dma_wait3A_37] : memref<10016x160xbf16, #tpu.memory_space<hbm>> -> memref<626x160xbf16, #tpu.memory_space<hbm>>
      tpu.wait_dma2 semaphore(%run_scoped3A : memref<!tpu.dma_semaphore, #tpu.memory_space<semaphore_mem>>) src(%dma_wait3A_38 : memref<626x160xbf16, #tpu.memory_space<hbm>>) dst(%dma_wait3A_36 : memref<626x160xbf16, #tpu.memory_space<vmem_shared>>)
      tpu.yield
    }) : () -> ()
    "tpu.region"() ({
      %run_scoped3A = tpu.sem_alloc : memref<!tpu.dma_semaphore, #tpu.memory_space<semaphore_mem>>
      %dma_start3A = arith.constant 0 : i32
      %dma_start3A_33 = tpu.memref_slice %arg3[%min3A_22, %dma_start3A] : memref<2500x128xi32, #tpu.memory_space<hbm>> -> memref<94x128xi32, #tpu.memory_space<hbm>>
      %dma_start3A_34 = arith.constant 0 : i32
      %dma_start3A_35 = tpu.memref_slice %arg3[%min3A_22, %dma_start3A_34] : memref<2500x128xi32, #tpu.memory_space<hbm>> -> memref<94x128xi32, #tpu.memory_space<hbm>>
      tpu.enqueue_dma source(%dma_start3A_35 : memref<94x128xi32, #tpu.memory_space<hbm>>) target(%arg7 : memref<94x128xi32, #tpu.memory_space<vmem>>) target_semaphore(%run_scoped3A : memref<!tpu.dma_semaphore, #tpu.memory_space<semaphore_mem>>)
      %dma_wait3A = arith.constant 0 : i32
      %dma_wait3A_36 = tpu.memref_slice %arg3[%min3A_22, %dma_wait3A] : memref<2500x128xi32, #tpu.memory_space<hbm>> -> memref<94x128xi32, #tpu.memory_space<hbm>>
      %dma_wait3A_37 = arith.constant 0 : i32
      %dma_wait3A_38 = tpu.memref_slice %arg3[%min3A_22, %dma_wait3A_37] : memref<2500x128xi32, #tpu.memory_space<hbm>> -> memref<94x128xi32, #tpu.memory_space<hbm>>
      tpu.wait_dma2 semaphore(%run_scoped3A : memref<!tpu.dma_semaphore, #tpu.memory_space<semaphore_mem>>) src(%dma_wait3A_38 : memref<94x128xi32, #tpu.memory_space<hbm>>) dst(%arg7 : memref<94x128xi32, #tpu.memory_space<vmem>>)
      tpu.yield
    }) : () -> ()
    "tpu.region"() ({
      %run_scoped3A = tpu.sem_alloc : memref<!tpu.dma_semaphore, #tpu.memory_space<semaphore_mem>>
      %dma_start3A = arith.constant 0 : i32
      %dma_start3A_33 = tpu.memref_slice %arg4[%min3A_22, %dma_start3A] : memref<2500x128xi32, #tpu.memory_space<hbm>> -> memref<94x128xi32, #tpu.memory_space<hbm>>
      %dma_start3A_34 = arith.constant 0 : i32
      %dma_start3A_35 = tpu.memref_slice %arg4[%min3A_22, %dma_start3A_34] : memref<2500x128xi32, #tpu.memory_space<hbm>> -> memref<94x128xi32, #tpu.memory_space<hbm>>
      tpu.enqueue_dma source(%dma_start3A_35 : memref<94x128xi32, #tpu.memory_space<hbm>>) target(%arg8 : memref<94x128xi32, #tpu.memory_space<vmem>>) target_semaphore(%run_scoped3A : memref<!tpu.dma_semaphore, #tpu.memory_space<semaphore_mem>>)
      %dma_wait3A = arith.constant 0 : i32
      %dma_wait3A_36 = tpu.memref_slice %arg4[%min3A_22, %dma_wait3A] : memref<2500x128xi32, #tpu.memory_space<hbm>> -> memref<94x128xi32, #tpu.memory_space<hbm>>
      %dma_wait3A_37 = arith.constant 0 : i32
      %dma_wait3A_38 = tpu.memref_slice %arg4[%min3A_22, %dma_wait3A_37] : memref<2500x128xi32, #tpu.memory_space<hbm>> -> memref<94x128xi32, #tpu.memory_space<hbm>>
      tpu.wait_dma2 semaphore(%run_scoped3A : memref<!tpu.dma_semaphore, #tpu.memory_space<semaphore_mem>>) src(%dma_wait3A_38 : memref<94x128xi32, #tpu.memory_space<hbm>>) dst(%arg8 : memref<94x128xi32, #tpu.memory_space<vmem>>)
      tpu.yield
    }) : () -> ()
    %barrier3A = arith.constant 0 : index
    tpu.barrier barrier_id(%barrier3A)
    %while3A = arith.constant 0 : i32
    %while3A_23 = arith.constant 0 : i32
    %while3A_24 = arith.subi %select_n3A_20, %while3A_23 : i32
    %while3A_25 = arith.addi %while3A_23, %while3A_24 : i32
    %while3A_26 = arith.constant 1 : i32
    %while3A_27 = arith.divsi %while3A_24, %while3A_26 : i32
    %while3A_28 = arith.muli %while3A_27, %while3A_26 : i32
    %while3A_29 = arith.addi %while3A_23, %while3A_28 : i32
    %while3A_30 = arith.constant 1 : i32
    scf.for %while3A_33 = %while3A_23 to %while3A_29 step %while3A_30  : i32 {
      %add3A_34 = arith.addi %sub3A, %while3A_33 : i32
      %dma_start3A = arith.constant 0 : i32
      %dma_start3A_35 = tpu.memref_slice %arg7[%add3A_34, %dma_start3A] : memref<94x128xi32, #tpu.memory_space<vmem>> -> memref<1x128xi32, #tpu.memory_space<vmem>>
      %dma_start3A_36 = tpu.memref_squeeze %dma_start3A_35 : memref<1x128xi32, #tpu.memory_space<vmem>> -> memref<128xi32, #tpu.memory_space<vmem>>
      %dma_start3A_37 = arith.constant 0 : i32
      %dma_start3A_38 = arith.constant 0 : i32
      %dma_start3A_39 = tpu.memref_slice %arg2[%dma_start3A_37, %dma_start3A_38] : memref<10000x160xbf16, #tpu.memory_space<hbm>> -> memref<10000x160xbf16, #tpu.memory_space<hbm>>
      tpu.enqueue_indirect_dma source(%dma_start3A_39 : memref<10000x160xbf16, #tpu.memory_space<hbm>>) target(%arg9 : memref<128x160xbf16, #tpu.memory_space<vmem>>) offsets(%dma_start3A_36 : memref<128xi32, #tpu.memory_space<vmem>>) semaphore(%arg11 : memref<!tpu.dma_semaphore, #tpu.memory_space<semaphore_mem>>)
      %dma_wait3A = arith.constant 0 : i32
      %dma_wait3A_40 = tpu.memref_slice %arg7[%add3A_34, %dma_wait3A] : memref<94x128xi32, #tpu.memory_space<vmem>> -> memref<1x128xi32, #tpu.memory_space<vmem>>
      %dma_wait3A_41 = tpu.memref_squeeze %dma_wait3A_40 : memref<1x128xi32, #tpu.memory_space<vmem>> -> memref<128xi32, #tpu.memory_space<vmem>>
      %dma_wait3A_42 = arith.constant 0 : i32
      %dma_wait3A_43 = arith.constant 0 : i32
      %dma_wait3A_44 = tpu.memref_slice %arg2[%dma_wait3A_42, %dma_wait3A_43] : memref<10000x160xbf16, #tpu.memory_space<hbm>> -> memref<10000x160xbf16, #tpu.memory_space<hbm>>
      tpu.wait_indirect_dma semaphore(%arg11 : memref<!tpu.dma_semaphore, #tpu.memory_space<semaphore_mem>>) src(%dma_wait3A_44 : memref<10000x160xbf16, #tpu.memory_space<hbm>>) dst(%arg9 : memref<128x160xbf16, #tpu.memory_space<vmem>>)
      %add3A_45 = arith.addi %sub3A, %while3A_33 : i32
      "tpu.region"() ({
        %run_scoped3A = tpu.sem_alloc : memref<!tpu.dma_semaphore, #tpu.memory_space<semaphore_mem>>
        %dma_start3A_46 = arith.constant 0 : i32
        %dma_start3A_47 = tpu.memref_slice %arg8[%add3A_45, %dma_start3A_46] : memref<94x128xi32, #tpu.memory_space<vmem>> -> memref<1x128xi32, #tpu.memory_space<vmem>>
        %dma_start3A_48 = tpu.memref_squeeze %dma_start3A_47 : memref<1x128xi32, #tpu.memory_space<vmem>> -> memref<128xi32, #tpu.memory_space<vmem>>
        %dma_start3A_49 = arith.constant 0 : i32
        %dma_start3A_50 = arith.constant 0 : i32
        %dma_start3A_51 = tpu.memref_slice %arg10[%dma_start3A_49, %dma_start3A_50] : memref<10016x160xbf16, #tpu.memory_space<vmem_shared>> -> memref<10016x160xbf16, #tpu.memory_space<vmem_shared>>
        tpu.enqueue_indirect_dma source(%arg9 : memref<128x160xbf16, #tpu.memory_space<vmem>>) target(%dma_start3A_51 : memref<10016x160xbf16, #tpu.memory_space<vmem_shared>>) offsets(%dma_start3A_48 : memref<128xi32, #tpu.memory_space<vmem>>) semaphore(%run_scoped3A : memref<!tpu.dma_semaphore, #tpu.memory_space<semaphore_mem>>) {add = true}
        %dma_wait3A_52 = arith.constant 0 : i32
        %dma_wait3A_53 = tpu.memref_slice %arg8[%add3A_45, %dma_wait3A_52] : memref<94x128xi32, #tpu.memory_space<vmem>> -> memref<1x128xi32, #tpu.memory_space<vmem>>
        %dma_wait3A_54 = tpu.memref_squeeze %dma_wait3A_53 : memref<1x128xi32, #tpu.memory_space<vmem>> -> memref<128xi32, #tpu.memory_space<vmem>>
        %dma_wait3A_55 = arith.constant 0 : i32
        %dma_wait3A_56 = arith.constant 0 : i32
        %dma_wait3A_57 = tpu.memref_slice %arg10[%dma_wait3A_55, %dma_wait3A_56] : memref<10016x160xbf16, #tpu.memory_space<vmem_shared>> -> memref<10016x160xbf16, #tpu.memory_space<vmem_shared>>
        tpu.wait_indirect_dma semaphore(%run_scoped3A : memref<!tpu.dma_semaphore, #tpu.memory_space<semaphore_mem>>) src(%arg9 : memref<128x160xbf16, #tpu.memory_space<vmem>>) dst(%dma_wait3A_57 : memref<10016x160xbf16, #tpu.memory_space<vmem_shared>>)
        tpu.yield
      }) : () -> ()
    }
    %while3A_31 = arith.constant 1 : i32
    scf.for %while3A_33 = %while3A_29 to %while3A_25 step %while3A_31  : i32 {
      %add3A_34 = arith.addi %sub3A, %while3A_33 : i32
      %dma_start3A = arith.constant 0 : i32
      %dma_start3A_35 = tpu.memref_slice %arg7[%add3A_34, %dma_start3A] : memref<94x128xi32, #tpu.memory_space<vmem>> -> memref<1x128xi32, #tpu.memory_space<vmem>>
      %dma_start3A_36 = tpu.memref_squeeze %dma_start3A_35 : memref<1x128xi32, #tpu.memory_space<vmem>> -> memref<128xi32, #tpu.memory_space<vmem>>
      %dma_start3A_37 = arith.constant 0 : i32
      %dma_start3A_38 = arith.constant 0 : i32
      %dma_start3A_39 = tpu.memref_slice %arg2[%dma_start3A_37, %dma_start3A_38] : memref<10000x160xbf16, #tpu.memory_space<hbm>> -> memref<10000x160xbf16, #tpu.memory_space<hbm>>
      tpu.enqueue_indirect_dma source(%dma_start3A_39 : memref<10000x160xbf16, #tpu.memory_space<hbm>>) target(%arg9 : memref<128x160xbf16, #tpu.memory_space<vmem>>) offsets(%dma_start3A_36 : memref<128xi32, #tpu.memory_space<vmem>>) semaphore(%arg11 : memref<!tpu.dma_semaphore, #tpu.memory_space<semaphore_mem>>)
      %dma_wait3A = arith.constant 0 : i32
      %dma_wait3A_40 = tpu.memref_slice %arg7[%add3A_34, %dma_wait3A] : memref<94x128xi32, #tpu.memory_space<vmem>> -> memref<1x128xi32, #tpu.memory_space<vmem>>
      %dma_wait3A_41 = tpu.memref_squeeze %dma_wait3A_40 : memref<1x128xi32, #tpu.memory_space<vmem>> -> memref<128xi32, #tpu.memory_space<vmem>>
      %dma_wait3A_42 = arith.constant 0 : i32
      %dma_wait3A_43 = arith.constant 0 : i32
      %dma_wait3A_44 = tpu.memref_slice %arg2[%dma_wait3A_42, %dma_wait3A_43] : memref<10000x160xbf16, #tpu.memory_space<hbm>> -> memref<10000x160xbf16, #tpu.memory_space<hbm>>
      tpu.wait_indirect_dma semaphore(%arg11 : memref<!tpu.dma_semaphore, #tpu.memory_space<semaphore_mem>>) src(%dma_wait3A_44 : memref<10000x160xbf16, #tpu.memory_space<hbm>>) dst(%arg9 : memref<128x160xbf16, #tpu.memory_space<vmem>>)
      %add3A_45 = arith.addi %sub3A, %while3A_33 : i32
      "tpu.region"() ({
        %run_scoped3A = tpu.sem_alloc : memref<!tpu.dma_semaphore, #tpu.memory_space<semaphore_mem>>
        %dma_start3A_46 = arith.constant 0 : i32
        %dma_start3A_47 = tpu.memref_slice %arg8[%add3A_45, %dma_start3A_46] : memref<94x128xi32, #tpu.memory_space<vmem>> -> memref<1x128xi32, #tpu.memory_space<vmem>>
        %dma_start3A_48 = tpu.memref_squeeze %dma_start3A_47 : memref<1x128xi32, #tpu.memory_space<vmem>> -> memref<128xi32, #tpu.memory_space<vmem>>
        %dma_start3A_49 = arith.constant 0 : i32
        %dma_start3A_50 = arith.constant 0 : i32
        %dma_start3A_51 = tpu.memref_slice %arg10[%dma_start3A_49, %dma_start3A_50] : memref<10016x160xbf16, #tpu.memory_space<vmem_shared>> -> memref<10016x160xbf16, #tpu.memory_space<vmem_shared>>
        tpu.enqueue_indirect_dma source(%arg9 : memref<128x160xbf16, #tpu.memory_space<vmem>>) target(%dma_start3A_51 : memref<10016x160xbf16, #tpu.memory_space<vmem_shared>>) offsets(%dma_start3A_48 : memref<128xi32, #tpu.memory_space<vmem>>) semaphore(%run_scoped3A : memref<!tpu.dma_semaphore, #tpu.memory_space<semaphore_mem>>) {add = true}
        %dma_wait3A_52 = arith.constant 0 : i32
        %dma_wait3A_53 = tpu.memref_slice %arg8[%add3A_45, %dma_wait3A_52] : memref<94x128xi32, #tpu.memory_space<vmem>> -> memref<1x128xi32, #tpu.memory_space<vmem>>
        %dma_wait3A_54 = tpu.memref_squeeze %dma_wait3A_53 : memref<1x128xi32, #tpu.memory_space<vmem>> -> memref<128xi32, #tpu.memory_space<vmem>>
        %dma_wait3A_55 = arith.constant 0 : i32
        %dma_wait3A_56 = arith.constant 0 : i32
        %dma_wait3A_57 = tpu.memref_slice %arg10[%dma_wait3A_55, %dma_wait3A_56] : memref<10016x160xbf16, #tpu.memory_space<vmem_shared>> -> memref<10016x160xbf16, #tpu.memory_space<vmem_shared>>
        tpu.wait_indirect_dma semaphore(%run_scoped3A : memref<!tpu.dma_semaphore, #tpu.memory_space<semaphore_mem>>) src(%arg9 : memref<128x160xbf16, #tpu.memory_space<vmem>>) dst(%dma_wait3A_57 : memref<10016x160xbf16, #tpu.memory_space<vmem_shared>>)
        tpu.yield
      }) : () -> ()
    }
    %barrier3A_32 = arith.constant 0 : index
    tpu.barrier barrier_id(%barrier3A_32)
    "tpu.region"() ({
      %run_scoped3A = tpu.sem_alloc : memref<!tpu.dma_semaphore, #tpu.memory_space<semaphore_mem>>
      %dma_start3A = arith.constant 0 : i32
      %dma_start3A_33 = tpu.memref_slice %arg6[%arg0, %mul3A_0, %dma_start3A] : memref<2x10016x160xbf16, #tpu.memory_space<hbm>> -> memref<1x626x160xbf16, #tpu.memory_space<hbm>>
      %dma_start3A_34 = tpu.memref_squeeze %dma_start3A_33 : memref<1x626x160xbf16, #tpu.memory_space<hbm>> -> memref<626x160xbf16, #tpu.memory_space<hbm>>
      %dma_start3A_35 = arith.constant 0 : i32
      %dma_start3A_36 = tpu.memref_slice %arg10[%mul3A_0, %dma_start3A_35] : memref<10016x160xbf16, #tpu.memory_space<vmem_shared>> -> memref<626x160xbf16, #tpu.memory_space<vmem_shared>>
      tpu.enqueue_dma source(%dma_start3A_36 : memref<626x160xbf16, #tpu.memory_space<vmem_shared>>) target(%dma_start3A_34 : memref<626x160xbf16, #tpu.memory_space<hbm>>) target_semaphore(%run_scoped3A : memref<!tpu.dma_semaphore, #tpu.memory_space<semaphore_mem>>)
      %dma_wait3A = arith.constant 0 : i32
      %dma_wait3A_37 = tpu.memref_slice %arg6[%arg0, %mul3A_0, %dma_wait3A] : memref<2x10016x160xbf16, #tpu.memory_space<hbm>> -> memref<1x626x160xbf16, #tpu.memory_space<hbm>>
      %dma_wait3A_38 = tpu.memref_squeeze %dma_wait3A_37 : memref<1x626x160xbf16, #tpu.memory_space<hbm>> -> memref<626x160xbf16, #tpu.memory_space<hbm>>
      %dma_wait3A_39 = arith.constant 0 : i32
      %dma_wait3A_40 = tpu.memref_slice %arg10[%mul3A_0, %dma_wait3A_39] : memref<10016x160xbf16, #tpu.memory_space<vmem_shared>> -> memref<626x160xbf16, #tpu.memory_space<vmem_shared>>
      tpu.wait_dma2 semaphore(%run_scoped3A : memref<!tpu.dma_semaphore, #tpu.memory_space<semaphore_mem>>) src(%dma_wait3A_40 : memref<626x160xbf16, #tpu.memory_space<vmem_shared>>) dst(%dma_wait3A_38 : memref<626x160xbf16, #tpu.memory_space<hbm>>)
      tpu.yield
    }) : () -> ()
    return
  }
}

module attributes {stable_mosaic.version = 14 : i64} {
  func.func @_tc_combine(%arg0: i32, %arg1: memref<1000x128xf32, #tpu.memory_space<vmem>>, %arg2: memref<2x1000x160xbf16, #tpu.memory_space<vmem>>, %arg3: memref<256x128xf32, #tpu.memory_space<vmem>>, %arg4: memref<1x128xf32, #tpu.memory_space<vmem>>, %arg5: memref<1000x128xf32, #tpu.memory_space<vmem>>) attributes {dimension_semantics = [#tpu.dimension_semantics<arbitrary>], iteration_bounds = array<i64: 10>, scalar_prefetch = 0 : i64, scratch_operands = 0 : i64, tpu.core_type = #tpu.core_type<tc>, window_params = [{transform_indices = @transform_0, window_bounds = array<i64: 1000, 128>}, {transform_indices = @transform_1, window_bounds = array<i64: 2, 1000, 160>}, {pipeline_mode = #tpu.pipeline_mode<synchronous>, transform_indices = @transform_2, window_bounds = array<i64: 256, 128>}, {pipeline_mode = #tpu.pipeline_mode<synchronous>, transform_indices = @transform_3, window_bounds = array<i64: 1, 128>}, {transform_indices = @transform_4, window_bounds = array<i64: 1000, 128>}]} {
    %get3A = arith.constant 0 : index
    %get3A_0 = arith.constant 0 : index
    %get3A_1 = arith.constant 0 : index
    %get3A_2 = vector.load %arg2[%get3A, %get3A_0, %get3A_1] : memref<2x1000x160xbf16, #tpu.memory_space<vmem>>, vector<1x1000x160xbf16>
    %get3A_3 = vector.shape_cast %get3A_2 : vector<1x1000x160xbf16> to vector<1000x160xbf16>
    %convert_element_type3A = arith.extf %get3A_3 : vector<1000x160xbf16> to vector<1000x160xf32>
    %get3A_4 = arith.constant 1 : index
    %get3A_5 = arith.constant 0 : index
    %get3A_6 = arith.constant 0 : index
    %get3A_7 = vector.load %arg2[%get3A_4, %get3A_5, %get3A_6] : memref<2x1000x160xbf16, #tpu.memory_space<vmem>>, vector<1x1000x160xbf16>
    %get3A_8 = vector.shape_cast %get3A_7 : vector<1x1000x160xbf16> to vector<1000x160xbf16>
    %convert_element_type3A_9 = arith.extf %get3A_8 : vector<1000x160xbf16> to vector<1000x160xf32>
    %add3A = arith.addf %convert_element_type3A, %convert_element_type3A_9 : vector<1000x160xf32>
    %slice3A = vector.extract_strided_slice %add3A {offsets = [0, 0], sizes = [1000, 128], strides = [1, 1]} : vector<1000x160xf32> to vector<1000x128xf32>
    %slice3A_10 = vector.extract_strided_slice %add3A {offsets = [0, 128], sizes = [1000, 1], strides = [1, 1]} : vector<1000x160xf32> to vector<1000x1xf32>
    %max3A = arith.constant 1.000000e+00 : f32
    %max3A_11 = vector.broadcast %max3A : f32 to vector<1000x1xf32>
    %max3A_12 = arith.maximumf %slice3A_10, %max3A_11 : vector<1000x1xf32>
    %div3A = vector.broadcast %max3A_12 : vector<1000x1xf32> to vector<1000x128xf32>
    %div3A_13 = arith.divf %slice3A, %div3A : vector<1000x128xf32>
    %get3A_14 = arith.constant 0 : index
    %get3A_15 = arith.constant 0 : index
    %get3A_16 = vector.load %arg1[%get3A_14, %get3A_15] : memref<1000x128xf32, #tpu.memory_space<vmem>>, vector<1000x128xf32>
    %get3A_17 = arith.constant 0 : index
    %get3A_18 = arith.constant 0 : index
    %get3A_19 = vector.load %arg3[%get3A_17, %get3A_18] : memref<256x128xf32, #tpu.memory_space<vmem>>, vector<128x128xf32>
    %dot_general3A = arith.constant dense<0.000000e+00> : vector<1000x128xf32>
    %dot_general3A_20 = tpu.matmul %get3A_16, %get3A_19, %dot_general3A {dimension_numbers = #tpu.dot_dimension_numbers<[1], [0], [0], [1], [0, 0, 1, 1], [], []>, transpose_lhs_hint = false} : vector<1000x128xf32>, vector<128x128xf32>, vector<1000x128xf32> -> vector<1000x128xf32>
    %get3A_21 = arith.constant 128 : index
    %get3A_22 = arith.constant 0 : index
    %get3A_23 = vector.load %arg3[%get3A_21, %get3A_22] : memref<256x128xf32, #tpu.memory_space<vmem>>, vector<128x128xf32>
    %dot_general3A_24 = arith.constant dense<0.000000e+00> : vector<1000x128xf32>
    %dot_general3A_25 = tpu.matmul %div3A_13, %get3A_23, %dot_general3A_24 {dimension_numbers = #tpu.dot_dimension_numbers<[1], [0], [0], [1], [0, 0, 1, 1], [], []>, transpose_lhs_hint = false} : vector<1000x128xf32>, vector<128x128xf32>, vector<1000x128xf32> -> vector<1000x128xf32>
    %add3A_26 = arith.addf %dot_general3A_20, %dot_general3A_25 : vector<1000x128xf32>
    %get3A_27 = arith.constant 0 : index
    %get3A_28 = arith.constant 0 : index
    %get3A_29 = vector.load %arg4[%get3A_27, %get3A_28] : memref<1x128xf32, #tpu.memory_space<vmem>>, vector<1x128xf32>
    %add3A_30 = vector.broadcast %get3A_29 : vector<1x128xf32> to vector<1000x128xf32>
    %add3A_31 = arith.addf %add3A_26, %add3A_30 : vector<1000x128xf32>
    %swap3A = arith.constant 0 : index
    %swap3A_32 = arith.constant 0 : index
    %swap3A_33 = vector.load %arg5[%swap3A, %swap3A_32] : memref<1000x128xf32, #tpu.memory_space<vmem>>, vector<1000x128xf32>
    tpu.vector_store %arg5[%swap3A, %swap3A_32], %add3A_31 {strides = array<i32>} : memref<1000x128xf32, #tpu.memory_space<vmem>>, vector<1000x128xf32>,
    return
  }
  func.func @transform_0(%arg0: i32) -> (i32, i32) {
    %c0_i32 = arith.constant 0 : i32
    %c0_i32_0 = arith.constant 0 : i32
    return %arg0, %c0_i32 : i32, i32
  }
  func.func @transform_1(%arg0: i32) -> (i32, i32, i32) {
    %c0_i32 = arith.constant 0 : i32
    %c0_i32_0 = arith.constant 0 : i32
    %c0_i32_1 = arith.constant 0 : i32
    return %c0_i32, %arg0, %c0_i32_0 : i32, i32, i32
  }
  func.func @transform_2(%arg0: i32) -> (i32, i32) {
    %c0_i32 = arith.constant 0 : i32
    %c0_i32_0 = arith.constant 0 : i32
    %c0_i32_1 = arith.constant 0 : i32
    return %c0_i32, %c0_i32_0 : i32, i32
  }
  func.func @transform_3(%arg0: i32) -> (i32, i32) {
    %c0_i32 = arith.constant 0 : i32
    %c0_i32_0 = arith.constant 0 : i32
    %c0_i32_1 = arith.constant 0 : i32
    return %c0_i32, %c0_i32_0 : i32, i32
  }
  func.func @transform_4(%arg0: i32) -> (i32, i32) {
    %c0_i32 = arith.constant 0 : i32
    %c0_i32_0 = arith.constant 0 : i32
    return %arg0, %c0_i32 : i32, i32
  }
}

</mosaic_0001>

<sc_bundles>
// kernel: kernel.4.cloned.1.call-start
scs
__scs_entry_jumppad:
0x0: {  	(pc) =	sbr.rel $0x88, $3  }
0x1: {  	(tag) =	ssettag $0x0;
	lr =	simm.s32 $0x1  }
0x2: {  	[smem:$0x3F9D] =	sst lr;
	_ =	strace $0xD0000000  }
0x3: {  	_ = 	snop  }
0x4: {  	_ = 	snop  }
0x5: {  	_ = 	snop  }
0x6: {  	_ = 	snop  }
0x7: {  	_ = 	snop  }
__scs_overlays_trampoline_lowered:
0x8: {  	[smem:$0x3FAC] =	sst s0  }
0x9: {  	[smem:$0x3FAD] =	sst s1  }
0xa: {  	[smem:$0x3FAE] =	sst s2  }
0xb: {  	[smem:$0x3FAF] =	sst s3  }
0xc: {  	[smem:$0x3FB0] =	sst s4  }
0xd: {  	[smem:$0x3FB1] =	sst s5  }
0xe: {  	[smem:$0x3FB2] =	sst s6  }
0xf: {  	[smem:$0x3FB3] =	sst s7  }
0x10: {  	[smem:$0x3FB4] =	sst s8  }
0x11: {  	[smem:$0x3FB5] =	sst s9;
	s0 =	simm.s32 @!p0 $0x0  }
0x12: {  	s1 =	sld [smem:$0x3F9B];
	s0 =	simm.s32 @p0 $0x1  }
0x13: {  	[smem:$0x3FB6] =	sst s0;
	s0 =	simm.s32 @!p1 $0x0  }
0x14: {  	s2 =	sld [smem:$0x3F9A];
	s0 =	simm.s32 @p1 $0x1  }
0x15: {  	[smem:$0x3FB7] =	sst s0;
	s0 =	simm.s32 @!p2 $0x0  }
0x16: {  	s3 =	sld [smem:$0x3FDB];
	s0 =	simm.s32 @p2 $0x1  }
0x17: {  	s4 =	simm.s32 $0x1BF5;
	[smem:$0x3FB9] =	sst s0  }
0x18: {  	s0 =	sld [smem:$0x3F9C];
	_ =	swait.ge [sflag:s4], $0x0  }
0x19: {  	s7 =	sld [smem:$0x3F9D]  }
0x1a: {  	s8 =	sadd.s32 $0xFFFFE003, lr  }
0x1b: {  	s9 =	sadd.s32 $0xFFFFFEF7, lr;
	s5 =	simm.s32 $0xFFFFFFFF;
	p2 =	slt.u32 s8, $0xFFFFF086  }
0x1c: {  	p1 =	slt.u32 s9, $0xF7A;
	s5 =	simm.s32 @!p2 $0x0  }
0x1d: {  	s5 =	simm.s32 @p1 $0x1;
	p0 =	seq.s32 s7, s2  }
0x1e: {  	s7 =	smul.u32 @!p0 $0xF7A, s2;
	p2 =	seq.s32 @!p0 s5, $0x0  }
0x1f: {  	s9 =	smul.u32 $0xF7A, s1;
	s8 =	simm.s32 @!p0 $0x1BF5;
	p2 =	por !p2, p0  }
0x20: {  	[sflag:s8] =	ssyncset.s32 @!p0 $0xFFFFF086;
	s6 =	sadd.s32 @!p0 s3, s7;
	s7 =	simm.s32 @!p0 $0x108  }
0x21: {  	s3 =	sadd.s32 s3, s9;
	s6 =	sadd.s32 @!p0 $0x88, s6;
	s7 =	simm.s32 @p2 $0x1082  }
0x22: {  	[simem:s7], [sflag:s8] =	dma.local @!p0 [hbm:s6], $0xF7A  }
0x23: {  	s9 =	sor.u32 $0xD0000000, s2;
	s6 =	simm.s32 $0x108;
	_ =	swait.ge @!p0 [sflag:s8], $0x0  }
0x24: {  	s3 =	sadd.s32 $0x88, s3;
	s6 =	simm.s32 @!p1 $0x1082;
	[sflag:s4] =	ssyncset.s32 $0xFFFFF086  }
0x25: {  	[simem:s6], [sflag:s4] =	dma.local [hbm:s3], $0xF7A  }
0x26: {  	[smem:$0x3F9D] =	sst s1;
	(tag) =	ssettag s2;
	_ =	strace s9  }
0x27: {  	s1 =	sld [smem:$0x3FAD]  }
0x28: {  	s2 =	sld [smem:$0x3FAE]  }
0x29: {  	s4 =	sld [smem:$0x3FB0]  }
0x2a: {  	p0 =	seq.s32 s5, $0x0;
	s5 =	sld [smem:$0x3FB1]  }
0x2b: {  	s6 =	sld [smem:$0x3FB2]  }
0x2c: {  	s7 =	sld [smem:$0x3FB3]  }
0x2d: {  	s3 =	simm.s32 $0x108;
	s8 =	sld [smem:$0x3FB4]  }
0x2e: {  	s3 =	simm.s32 @!p0 $0x1082;
	s9 =	sld [smem:$0x3FB5]  }
0x2f: {  	lr =	sadd.s32 s0, s3;
	s0 =	sld [smem:$0x3FAC]  }
0x30: {  	s3 =	sld [smem:$0x3FAF]  }
0x31: {  	[smem:$0x3FB8] =	sst s10  }
0x32: {  	s10 =	sld [smem:$0x3FB6];
	_ =	sdelay $0x3  }
0x33: {  	p0 =	seq.s32 s10, $0x1;
	s10 =	sld [smem:$0x3FB8];
	_ =	sdelay $0x3  }
0x34: {  	[smem:$0x3FB8] =	sst s10  }
0x35: {  	s10 =	sld [smem:$0x3FB7];
	_ =	sdelay $0x3  }
0x36: {  	p1 =	seq.s32 s10, $0x1;
	s10 =	sld [smem:$0x3FB8];
	_ =	sdelay $0x3  }
0x37: {  	[smem:$0x3FB8] =	sst s10  }
0x38: {  	s10 =	sld [smem:$0x3FB9]  }
0x39: {  	_ = 	snop;
	(pc) =	sbr.ind lr, $3  }
0x3a: {  	_ = 	snop  }
0x3b: {  	_ = 	snop  }
0x3c: {  	p2 =	seq.s32 s10, $0x1;
	s10 =	sld [smem:$0x3FB8]  }
0x3d: {  	_ =	shalt  }
0x3e: {  	_ =	shalt  }
0x3f: {  	_ =	shalt  }
0x40: {  	_ =	shalt  }
0x41: {  	_ =	shalt  }
0x42: {  	_ =	shalt  }
0x43: {  	_ =	shalt  }
0x44: {  	_ =	shalt  }
0x45: {  	_ =	shalt  }
0x46: {  	_ =	shalt  }
0x47: {  	_ =	shalt  }
0x48: {  	_ =	shalt  }
0x49: {  	_ =	shalt  }
0x4a: {  	_ =	shalt  }
0x4b: {  	_ =	shalt  }
0x4c: {  	_ =	shalt  }
0x4d: {  	_ =	shalt  }
0x4e: {  	_ =	shalt  }
0x4f: {  	_ =	shalt  }
0x50: {  	_ =	shalt  }
0x51: {  	_ =	shalt  }
0x52: {  	_ =	shalt  }
0x53: {  	_ =	shalt  }
0x54: {  	_ =	shalt  }
0x55: {  	_ =	shalt  }
0x56: {  	_ =	shalt  }
0x57: {  	_ =	shalt  }
0x58: {  	_ =	shalt  }
0x59: {  	_ =	shalt  }
0x5a: {  	_ =	shalt  }
0x5b: {  	_ =	shalt  }
0x5c: {  	_ =	shalt  }
0x5d: {  	_ =	shalt  }
0x5e: {  	_ =	shalt  }
0x5f: {  	_ =	shalt  }
0x60: {  	_ =	shalt  }
0x61: {  	_ =	shalt  }
0x62: {  	_ =	shalt  }
0x63: {  	_ =	shalt  }
0x64: {  	_ =	shalt  }
0x65: {  	_ =	shalt  }
0x66: {  	_ =	shalt  }
0x67: {  	_ =	shalt  }
0x68: {  	_ =	shalt  }
0x69: {  	_ =	shalt  }
0x6a: {  	_ =	shalt  }
0x6b: {  	_ =	shalt  }
0x6c: {  	_ =	shalt  }
0x6d: {  	_ =	shalt  }
0x6e: {  	_ =	shalt  }
0x6f: {  	_ =	shalt  }
0x70: {  	_ =	shalt  }
0x71: {  	_ =	shalt  }
0x72: {  	_ =	shalt  }
0x73: {  	_ =	shalt  }
0x74: {  	_ =	shalt  }
0x75: {  	_ =	shalt  }
0x76: {  	_ =	shalt  }
0x77: {  	_ =	shalt  }
0x78: {  	_ =	shalt  }
0x79: {  	_ =	shalt  }
0x7a: {  	_ =	shalt  }
0x7b: {  	_ =	shalt  }
0x7c: {  	_ =	shalt  }
0x7d: {  	_ =	shalt  }
0x7e: {  	_ =	shalt  }
0x7f: {  	_ =	shalt  }
0x80: {  	_ =	shalt  }
0x81: {  	_ =	shalt  }
0x82: {  	_ =	shalt  }
0x83: {  	_ =	shalt  }
0x84: {  	_ =	shalt  }
0x85: {  	_ =	shalt  }
0x86: {  	_ =	shalt  }
0x87: {  	_ =	shalt  }
.Lfunc_end0:
.L_simem_size_0:
called_computation_lowered:
.L_overlay_start_0:
0x88: {  	s2 =	sld [smem:$0x3FD9]  }
0x89: {  	s3 =	sld [smem:$0x3FFE];
	_ =	sdelay $0x1  }
0x8a: {  	s1 =	srdreg.scid  }
0x8b: {  	s0 =	sand.u32 $0x1, s1  }
0x8c: {  	s17 =	sshll.u32 s0, $0xA;
	s2 =	sadd.s32 s3, s2  }
0x8d: {  	s2 =	sadd.s32 s2, s17  }
0x8e: {  	[smem:$0x3FC4] =	sst s2  }
0x8f: {  	_ = 	snop  }
0x90: {  	s2 =	sld [smem:$0x3FD0];
	(tm) =	ssettm $0x1  }
0x91: {  	s18 =	sld [smem:$0x3FFB];
	_ =	sdelay $0x3  }
0x92: {  	_ =	strace s18  }
0x93: {  	s3 =	sld [smem:$0x3FFC];
	_ =	sdelay $0x3  }
0x94: {  	_ =	strace s3  }
0x95: {  	s3 =	sld [smem:$0x3FFD];
	_ =	sdelay $0x3  }
0x96: {  	_ =	strace s3  }
0x97: {  	_ =	strace $0x8FFFFFFF  }
0x98: {  	s19 =	sld [smem:$0x3FDB];
	_ =	sdelay $0x1  }
0x99: {  	s4 =	simm.s32 $_scs_section_size  }
0x9a: {  	s5 =	simm.s32 $_size__tile_overlayer_lowered;
	s6 =	simm.s32 $_tile_overlayer_lowered  }
0x9b: {  	s22 =	simm.s32 $0x1BFF;
	s21 =	sshll.u32 s6, $0x1;
	s3 =	sadd.s32 s4, s19  }
0x9c: {  	s7 =	simm.s32 $0x0;
	s20 =	sshll.u32 s5, $0x1;
	s5 =	sadd.s32 s21, s3  }
0x9d: {  	[timem:s7], [sflag:s22] =	dma.local [hbm:s5], s20  }
0x9e: {  	_ =	swait.ge [sflag:s22], s20  }
0x9f: {  	s4 =	ssub.s32 $0x0, s20;
	[sflag:s22] =	ssyncset.done $0x0  }
0xa0: {  	[sflag:s22] =	ssyncadd.s32 s4;
	_ =	sdelay $0x1  }
0xa1: {  	s23 =	simm.s32 $0x1B8B  }
0xa2: {  	_ =	swait.ge [sflag:s23], $0x1  }
0xa3: {  	[sflag:s23] =	ssyncset.done $0x0  }
0xa4: {  	s25 =	simm.s32 $0x1B8E;
	s24 =	sld [smem:$0x3FFE];
	[sflag:s23] =	ssyncadd.s32 $0xFFFFFFFF  }
0xa5: {  	s26 =	simm.s32 $execute0_lowered;
	[smem:$0x3FD2] =	sst s25  }
0xa6: {  	s5 =	sshll.u32 s26, $0x1;
	_ =	strace $0x80000046;
	[dreg:$0x1] =	wrdreg $0xFFFFFFFF  }
0xa7: {  	s28 =	simm.s32 $_size_execute0_lowered;
	s3 =	sadd.s32 s3, s5;
	[dreg:$0x0] =	wrdreg $0x0  }
0xa8: {  	s5 =	sshll.u32 s28, $0x1;
	[dreg:$0x2] =	wrdreg s3  }
0xa9: {  	[dreg:$0x3] =	wrdreg s5  }
0xaa: {  	[dreg:$0x4] =	wrdreg $0xC0  }
0xab: {  	_ =	task [dreg:s7], $0x5FFFF  }
0xac: {  	[dreg:$0x1] =	wrdreg $0xFFFFFFFF  }
0xad: {  	[dreg:$0x0] =	wrdreg $0x60  }
0xae: {  	[dreg:$0x2] =	wrdreg s24  }
0xaf: {  	[dreg:$0x3] =	wrdreg s2  }
0xb0: {  	[dreg:$0x4] =	wrdreg $0x86000  }
0xb1: {  	[dreg:$0x5] =	wrdreg $0x9  }
0xb2: {  	_ =	task.clear_ibuf [dreg:s7], $0x6FFFF;
	_ =	strace $0x90000046  }
0xb3: {  	s29 =	simm.s32 $0x9;
	_ =	strace $0x80000048  }
0xb4: {  	_ =	swait.ge [sflag:s29], $0x1  }
0xb5: {  	[sflag:s29] =	ssyncadd.s32 $0xFFFFFFFF  }
0xb6: {  	_ =	strace $0x90000048  }
0xb7: {  	_ =	sfence  }
0xb8: {  	s30 =	sld [smem:$0x0];
	_ =	sdelay $0x2  }
0xb9: {  	s31 =	sshll.u32 s1, $0xD;
	s1 =	sshrl.u32 s1, $0x2  }
0xba: {  	s3 =	sand.u32 $0x4000, s31;
	s1 =	sadd.s32 s1, s30  }
0xbb: {  	s0 =	sor.u32 s3, s0;
	s1 =	sshll.u32 s1, $0x11  }
0xbc: {  	s0 =	sor.u32 s1, s0  }
0xbd: {  	s0 =	sadd.s32 $0x8F2B, s0  }
0xbe: {  	[sflag:s0] =	ssyncadd.remote.s32 $0x1  }
0xbf: {  	_ =	sfence.sel $0xFFFF  }
0xc0: {  	[dreg:$0x0] =	wrdreg $0xFFFFFFFF;
	(pc) =	sbr.abs _section_cstart, $3  }
0xc1: {  	[dreg:$0x1] =	wrdreg $0xFFFFFFFF  }
0xc2: {  	_ =	task.clear_ibuf [dreg:s7], $0x2FFFF;
	_ =	strace $0x9FFFFFFF  }
0xc3: {  	(tm) =	ssettm $0x7FFFFFFF  }
tec
execute0_lowered:
.L_overlay_start_1:
0x0: {  	(tag) =	ssettag $0x1  }
0x1: {  	s5 =	rddreg [dreg:$0x0]  }
0x2: {  	s6 =	rddreg [dreg:$0x1]  }
0x3: {  	s2 =	rddreg [dreg:$0x2]  }
0x4: {  	s0 =	rddreg [dreg:$0x3];
	s3 =	simm.s32 $0x0;
	s4 =	srdreg.scid  }
0x5: {  	s1 =	stileid.u32;
	s16 =	simm.s32 $0x2F00;
	s17 =	simm.s32 $0x80  }
0x6: {  	s18 =	simm.s32 $0x5E00;
	s19 =	simm.s32 $0x1;
	s20 =	simm.s32 $0x0  }
0x7: {  	[smem:$0x7FF] =	sst s3;
	s7 =	sand.u32 $0x1, s4;
	s25 =	smul.u32 $0x3E, s1  }
0x8: {  	s8 =	smul.u32 $0x5D, s1;
	s9 =	smin.u32 s1, $0xC;
	s10 =	smin.u32 s1, $0x8  }
0x9: {  	s26 =	smul.u32 $0x18740, s1;
	p1 =	slt.u32 s1, $0x8;
	s29 =	sshll.u32 s1, $0x6  }
0xa: {  	p0 =	seq.s32 s7, $0x0;
	s11 =	smul.u32 $0x187400, s7;
	_ =	strace $0x80000047  }
0xb: {  	s7 =	ssub.s32 $0x2, s7;
	s4 =	sadd.s32 s9, s25;
	s8 =	sadd.s32 s10, s8  }
0xc: {  	s28 =	sshrl.u32 s7, $0x1;
	s14 =	sshrl.u32 s26, $0x1;
	s9 =	sshrl.u32 s26, $0x4  }
0xd: {  	s10 =	sadd.s32 $0x5D8, s4;
	s4 =	sadd.s32 $0xA00, s5;
	s11 =	sadd.s32 s26, s11  }
0xe: {  	s13 =	ssub.s32 s7, s28;
	s7 =	simm.s32 $0x5E;
	s14 =	sadd.s32 s14, s2  }
0xf: {  	s6 =	sadd.s32 s6, s9;
	s10 =	smov.u32 @p0 s8;
	s11 =	sshrl.u32 s11, $0x4  }
0x10: {  	s7 =	simm.s32 @!p1 $0x5D;
	p1 =	slt.u32 s1, $0xC;
	s14 =	sshrl.u32 s14, $0x3  }
0x11: {  	s8 =	smin.u32 s10, $0x966;
	s11 =	sadd.s32 s11, s5;
	s30 =	sshll.u32 s10, $0x9  }
0x12: {  	s12 =	sshll.u32 s8, $0x4;
	s31 =	sshll.u32 s8, $0x9;
	s10 =	sadd.s32 $0x2CE00, s11  }
0x13: {  	s12 =	sadd.s32 s12, s5;
	s5 =	simm.s32 $0x3F;
	s15 =	ssub.s32 s30, s31  }
0x14: {  	s5 =	simm.s32 @!p1 $0x3E;
	s8 =	sadd.s32 $0x23000, s12;
	s9 =	sadd.s32 $0x19200, s12  }
0x15: {  	s11 =	sshra.s32 s15, $0x2;
	s12 =	smax.u32 s13, $0x1;
	s15 =	simm.s32 $0x2  }
0x16: {  	s5 =	smov.u32 @p0 s7;
	s7 =	sor.u32 $0x1C02, s29;
	s13 =	sadd.s32 $0x2F00, s11  }
.LBB2_1:
0x17: {  	[spmem:s14], [sflag:s7] =	dma.local [hbm:s6], $0x1874  }
0x18: {  	_ =	swait.ge [sflag:s15], $0x1874  }
0x19: {  	[sflag:s15] =	ssyncset.done $0x0  }
0x1a: {  	[sflag:s15] =	ssyncadd.s32 $0xFFFFE78C  }
0x1b: {  	[tilespmem:s3], [sflag:$0x2] =	stream.linear.gather [hbm4b:s8+s3], $0x2F00, $0x38;
	[tilespmem:$0x149A0] =	vst v63  }
0x1c: {  	_ =	swait.ge [sflag:s15], $0x2F00  }
0x1d: {  	[sflag:s15] =	ssyncset.done $0x0  }
0x1e: {  	[sflag:s15] =	ssyncadd.s32 $0xFFFFD100  }
0x1f: {  	[tilespmem:s16], [sflag:$0x2] =	stream.linear.gather [hbm4b:s9+s3], $0x2F00, $0x38;
	[tilespmem:$0x149A0] =	vst v63  }
0x20: {  	_ =	swait.ge [sflag:s15], $0x2F00  }
0x21: {  	[sflag:s15] =	ssyncset.done $0x0  }
0x22: {  	[sflag:s15] =	ssyncadd.s32 $0xFFFFD100  }
0x23: {  	[bflag:$0x0] =	sbarrier.arrive $0xFFFF  }
0x24: {  	[tilespmem:s18], [sflag:$0x1] =	stream.indirect.gather [hbm4b:s4+s17], $0x50, s11, s17, $0xb8;
	[tilespmem:$0x149A0] =	vst v63  }
0x25: {  	p0 =	sne.s32 s5, $0x1;
	_ =	swait.ge [sflag:s19], $0x2800  }
.Ltmp0:
0x26: {  	[sflag:s19] =	ssyncset.done $0x0;
	(pc) =	sbr.rel @!p0 .LBB2_3-.Ltmp0, $4  }
0x27: {  	[sflag:s19] =	ssyncadd.s32 $0xFFFFD800  }
0x28: {  	[spmem:s2] =	stream.indirect.scatter.add.bf16 [tilespmem:s18], [sflag:$0x2], $0x50, s13, s17, $0xb8;
	[tilespmem:$0x149A0] =	vst v63  }
0x29: {  	s21 =	sadd.s32 $0xFFFFFFFF, s5;
	_ =	swait.ge [sflag:s15], $0x2800  }
0x2a: {  	s22 =	smov.u32 s11;
	s23 =	smov.u32 s13;
	[sflag:s15] =	ssyncset.done $0x0  }
.LBB2_2:
0x2b: {  	[sflag:s15] =	ssyncadd.s32 $0xFFFFD800;
	s22 =	sadd.s32 $0x80, s22;
	s23 =	sadd.s32 $0x80, s23  }
0x2c: {  	[tilespmem:s18], [sflag:$0x1] =	stream.indirect.gather [hbm4b:s4+s17], $0x50, s22, s17, $0xb8;
	[tilespmem:$0x149A0] =	vst v63  }
0x2d: {  	p0 =	sne.s32 s21, $0x1;
	s21 =	sadd.s32 $0xFFFFFFFF, s21;
	_ =	swait.ge [sflag:s19], $0x2800  }
.Ltmp1:
0x2e: {  	[sflag:s19] =	ssyncset.done $0x0;
	(pc) =	sbr.rel @p0 .LBB2_2-.Ltmp1, $4  }
0x2f: {  	[sflag:s19] =	ssyncadd.s32 $0xFFFFD800  }
0x30: {  	[spmem:s2] =	stream.indirect.scatter.add.bf16 [tilespmem:s18], [sflag:$0x2], $0x50, s23, s17, $0xb8;
	[tilespmem:$0x149A0] =	vst v63  }
0x31: {  	_ =	swait.ge [sflag:s15], $0x2800  }
0x32: {  	[sflag:s15] =	ssyncset.done $0x0  }
.LBB2_3:
0x33: {  	s20 =	sadd.s32 $0x1, s20  }
0x34: {  	[sflag:s15] =	ssyncadd.s32 $0xFFFFD800;
	p0 =	sne.s32 s20, s12  }
.Ltmp2:
0x35: {  	[bflag:$0x0] =	sbarrier.arrive $0xFFFF;
	(pc) =	sbr.rel @p0 .LBB2_1-.Ltmp2, $4  }
0x36: {  	[hbm:s10], [sflag:s7] =	dma.local [spmem:s14], $0x1874  }
0x37: {  	_ =	swait.ge [sflag:s15], $0x1874  }
0x38: {  	[sflag:s15] =	ssyncset.done $0x0  }
0x39: {  	[sflag:s15] =	ssyncadd.s32 $0xFFFFE78C  }
0x3a: {  	_ =	sfence.sel $0x180000  }
0x3b: {  	[bflag:$0x0] =	sbarrier.arrive $0xFFFF  }
0x3c: {  	p0 =	sne.s32 s1, $0x0;
	_ =	strace $0x90000047  }
0x3d: {  	s0 =	sadd.s32 @!p0 $0x100000, s0;
	[bflag:$0x2] =	sbarrier.arrive $0xFFFF  }
0x3e: {  	[sflag:s0] =	ssyncadd.tile.s32 @!p0 $0x1;
	_ =	shalt  }
.Lfunc_end2:
_tile_overlayer_lowered:
.L_overlay_start_2:
0x3f: {  	(tag) =	ssettag $0x2  }
0x40: {  	s0 =	rddreg [dreg:$0x0];
	s2 =	stileid.u32  }
0x41: {  	s1 =	rddreg [dreg:$0x1];
	p0 =	sne.s32 s2, $0x0  }
0x42: {  	s3 =	rddreg [dreg:$0x2];
	[bflag:$0x3] =	sbarrier.arrive $0xFFFF;
	s2 =	simm.s32 @!p0 $0x1C02  }
0x43: {  	[timem:s3], [sflag:s2] =	dma.local @!p0 [hbm:s0], s1  }
0x44: {  	s0 =	simm.s32 @!p0 $0x2  }
0x45: {  	_ =	swait.ge @!p0 [sflag:s0], s1  }
0x46: {  	s1 =	ssub.s32 @!p0 $0x0, s1;
	[sflag:s0] =	ssyncset.done @!p0 $0x0  }
0x47: {  	[sflag:s0] =	ssyncadd.s32 @!p0 s1  }
0x48: {  	[bflag:$0x3] =	sbarrier.arrive $0xFFFF  }
0x49: {  	_ =	shalt  }

</sc_bundles>
